<compile_context>
chip_gen: v7x
topology: tpu7x:2x2x1
jax: 0.10.2.dev20260603
libtpu: 0.0.44.dev20260713+nightly
codegen_flags: <defaults>
</compile_context>

<pallas_src>
import functools

import jax
import jax.numpy as jnp
from jax import lax
from jax.experimental import pallas as pl
from jax.experimental.pallas import tpu as pltpu
from jax.experimental.pallas import tpu_sc as plsc

N = 100000
D = 128
G = 256
BLK = 10000

SC_CHUNK = 128
NFULL = N // SC_CHUNK
TAIL = N - NFULL * SC_CHUNK
NW = 32
KMAX = (NFULL + NW - 1) // NW


def _mlp_body(x_ref, W1, b1, W2, b2, h_ref):
    x = x_ref[...].astype(jnp.bfloat16)
    hidden = jnp.maximum(
        jax.lax.dot(x, W1[...],
                    preferred_element_type=jnp.float32).astype(jnp.bfloat16)
        + b1[...],
        jnp.bfloat16(0.0))
    wg = (jax.lax.dot(hidden, W2[...],
                      preferred_element_type=jnp.float32).astype(jnp.bfloat16)
          + b2[...])
    w = wg[:, :D]
    g = wg[:, D:]
    h_ref[...] = ((jnp.bfloat16(0.5) * jnp.tanh(g * jnp.bfloat16(0.5))
                   + jnp.bfloat16(0.5)) * w).astype(jnp.float32)


def _final_body(p_ref, Wm1, bm1, Wm2, bm2, out_ref):
    acc = p_ref[0] + p_ref[1]
    m = jnp.maximum(jax.lax.dot(acc, Wm1[...], preferred_element_type=jnp.float32)
                    + bm1[...], 0.0)
    out_ref[...] = (jax.lax.dot(m, Wm2[...], preferred_element_type=jnp.float32)
                    + bm2[...])


def _make_sc_segsum():
    mesh = plsc.VectorSubcoreMesh(core_axis_name="c", subcore_axis_name="s")

    @functools.partial(
        pl.kernel, mesh=mesh,
        out_type=jax.ShapeDtypeStruct((2, G, D), jnp.float32),
        scratch_types=[
            pltpu.VMEM((SC_CHUNK, D), jnp.float32),
            pltpu.VMEM((SC_CHUNK,), jnp.int32),
            pltpu.VMEM((TAIL, D), jnp.float32),
            pltpu.VMEM((TAIL,), jnp.int32),
            pltpu.VMEM_SHARED((G, D), jnp.float32),
        ],
    )
    def segsum(h_hbm, ids_hbm, zeros_hbm, out_hbm, rows_v, idx_v,
               rows_t, idx_t, acc_sh):
        c = lax.axis_index("c")
        s = lax.axis_index("s")
        wid = s * 2 + c

        @pl.when(s == 0)
        def _zero():
            pltpu.sync_copy(zeros_hbm, acc_sh)

        plsc.subcore_barrier()

        def body(k, carry):
            cid = wid + NW * k

            @pl.when(cid < NFULL)
            def _():
                start = pl.multiple_of(cid * SC_CHUNK, 8)
                pltpu.sync_copy(h_hbm.at[pl.ds(start, SC_CHUNK)], rows_v)
                pltpu.sync_copy(ids_hbm.at[pl.ds(start, SC_CHUNK)], idx_v)
                pltpu.sync_copy(rows_v, acc_sh.at[idx_v], add=True)

            return carry

        lax.fori_loop(0, KMAX, body, 0)

        @pl.when(wid == NW - 1)
        def _tail():
            start = NFULL * SC_CHUNK
            pltpu.sync_copy(h_hbm.at[pl.ds(start, TAIL)], rows_t)
            pltpu.sync_copy(ids_hbm.at[pl.ds(start, TAIL)], idx_t)
            pltpu.sync_copy(rows_t, acc_sh.at[idx_t], add=True)

        plsc.subcore_barrier()

        @pl.when(s == 0)
        def _flush():
            pltpu.sync_copy(acc_sh, out_hbm.at[c])

    return segsum


@functools.partial(jax.jit, static_argnums=(2,))
def _run(x, batch_i32, nblk, Ww1, bw1, Ww2, bw2, Wg1, bg1, Wg2, bg2,
         Wm1, bm1, Wm2, bm2):
    W1 = jnp.concatenate([Ww1, Wg1], axis=1).astype(jnp.bfloat16)
    b1 = jnp.concatenate([bw1, bg1]).reshape(1, 2 * D).astype(jnp.bfloat16)
    zero = jnp.zeros((D, D), jnp.float32)
    W2 = jnp.block([[Ww2, zero], [zero, Wg2]]).astype(jnp.bfloat16)
    b2 = jnp.concatenate([bw2, bg2]).reshape(1, 2 * D).astype(jnp.bfloat16)

    row_spec = pl.BlockSpec((BLK, D), lambda i: (i, 0))
    full = lambda *shape: pl.BlockSpec(shape, lambda i: (0,) * len(shape))
    h = pl.pallas_call(
        _mlp_body,
        grid=(nblk,),
        in_specs=[row_spec, full(D, 2 * D), full(1, 2 * D),
                  full(2 * D, 2 * D), full(1, 2 * D)],
        out_specs=row_spec,
        out_shape=jax.ShapeDtypeStruct((N, D), jnp.float32),
    )(x, W1, b1, W2, b2)

    zeros_acc = jnp.zeros((G, D), jnp.float32)
    parts = _make_sc_segsum()(h, batch_i32, zeros_acc)

    return pl.pallas_call(
        _final_body,
        in_specs=[pl.BlockSpec((2, G, D), lambda: (0, 0, 0)),
                  pl.BlockSpec((D, D), lambda: (0, 0)),
                  pl.BlockSpec((1, D), lambda: (0, 0)),
                  pl.BlockSpec((D, D), lambda: (0, 0)),
                  pl.BlockSpec((1, D), lambda: (0, 0))],
        out_specs=pl.BlockSpec((G, D), lambda: (0, 0)),
        out_shape=jax.ShapeDtypeStruct((G, D), jnp.float32),
    )(parts, Wm1, bm1.reshape(1, D), Wm2, bm2.reshape(1, D))


def kernel(x, batch, dim, Ww1, bw1, Ww2, bw2, Wg1, bg1, Wg2, bg2,
           Wm1, bm1, Wm2, bm2):
    del dim
    batch_i32 = batch.astype(jnp.int32)
    assert x.shape == (N, D) and N % BLK == 0
    return _run(x, batch_i32, N // BLK, Ww1, bw1, Ww2, bw2,
                Wg1, bg1, Wg2, bg2, Wm1, bm1, Wm2, bm2)

# --- scband reference (transcript-rebuilt; emitter-appended) ---
"""Pipeline reference for scband-gmnaggregator-pairs-62766652064050 (READ-ONLY COPY).

The authoritative reference and input builder live on the scoring server;
editing this copy changes nothing except your own understanding.
"""

import jax, jax.numpy as jnp
import numpy as np

N = 100000
D_IN = 128
D_OUT = 128
NUM_GRAPHS = 256


def _mlp(x, W1, b1, W2, b2):
    # MLP with num_hidden_lyr=1, hidden_channels=[output_dim], bn=False
    h = jax.nn.relu(x @ W1 + b1)
    return h @ W2 + b2


def setup_inputs(seed: int = 0) -> dict:
    key = jax.random.key(seed)
    ks = jax.random.split(key, 14)
    x = jax.random.normal(ks[0], (N, D_IN), dtype=jnp.float32)
    batch = jnp.sort(jax.random.randint(ks[1], (N,), 0, NUM_GRAPHS, dtype=jnp.int64))
    dim = 0
    s = 0.05
    params = {
        'Ww1': jax.random.normal(ks[2], (D_IN, D_OUT), dtype=jnp.float32) * s,
        'bw1': jnp.zeros((D_OUT,), dtype=jnp.float32),
        'Ww2': jax.random.normal(ks[3], (D_OUT, D_OUT), dtype=jnp.float32) * s,
        'bw2': jnp.zeros((D_OUT,), dtype=jnp.float32),
        'Wg1': jax.random.normal(ks[4], (D_IN, D_OUT), dtype=jnp.float32) * s,
        'bg1': jnp.zeros((D_OUT,), dtype=jnp.float32),
        'Wg2': jax.random.normal(ks[5], (D_OUT, D_OUT), dtype=jnp.float32) * s,
        'bg2': jnp.zeros((D_OUT,), dtype=jnp.float32),
        'Wm1': jax.random.normal(ks[6], (D_OUT, D_OUT), dtype=jnp.float32) * s,
        'bm1': jnp.zeros((D_OUT,), dtype=jnp.float32),
        'Wm2': jax.random.normal(ks[7], (D_OUT, D_OUT), dtype=jnp.float32) * s,
        'bm2': jnp.zeros((D_OUT,), dtype=jnp.float32),
    }
    inp = {'x': x, 'batch': batch, 'dim': dim}
    inp.update(params)
    return inp


def reference(x, batch, dim, Ww1, bw1, Ww2, bw2, Wg1, bg1, Wg2, bg2, Wm1, bm1, Wm2, bm2):
    # weight_func MLP
    weighted_x = _mlp(x, Ww1, bw1, Ww2, bw2)
    # gate_func MLP + sigmoid
    gated_x = jax.nn.sigmoid(_mlp(x, Wg1, bg1, Wg2, bg2))
    hammard_prod = gated_x * weighted_x
    # scatter_add over dim=0 keyed by batch (graph id)
    graph_embeddings = jax.ops.segment_sum(hammard_prod, batch, num_segments=NUM_GRAPHS)
    return _mlp(graph_embeddings, Wm1, bm1, Wm2, bm2)

if __name__ == "__main__":
    import jax
    _d = setup_inputs()
    print(jax.jit(kernel)(*tuple(_d.values())))

</pallas_src>

<mosaic_0001>
#map = affine_map<(d0, d1) -> (0, 0)>
#map1 = affine_map<(d0, d1) -> (0)>
#map2 = affine_map<(d0, d1) -> (0, 0, 0)>
module attributes {stable_mosaic.version = 14 : i64} {
  func.func @segsum(%arg0: i32, %arg1: i32, %arg2: memref<100000x128xf32, #tpu.memory_space<hbm>>, %arg3: memref<100000xi32, #tpu.memory_space<hbm>>, %arg4: memref<256x128xf32, #tpu.memory_space<hbm>>, %arg5: memref<2x256x128xf32, #tpu.memory_space<hbm>>, %arg6: memref<128x128xf32, #tpu.memory_space<vmem>>, %arg7: memref<128xi32, #tpu.memory_space<vmem>>, %arg8: memref<32x128xf32, #tpu.memory_space<vmem>>, %arg9: memref<32xi32, #tpu.memory_space<vmem>>, %arg10: memref<256x128xf32, #tpu.memory_space<vmem_shared>>) attributes {dimension_semantics = [#tpu.dimension_semantics<core_parallel>, #tpu.dimension_semantics<subcore_parallel>], iteration_bounds = array<i64: 2, 16>, scalar_prefetch = 0 : i64, scratch_operands = 5 : i64, tpu.core_type = #tpu.core_type<sc_vector_subcore>, window_params = [{transform_indices = #map}, {transform_indices = #map1}, {transform_indices = #map}, {transform_indices = #map2}]} {
    %mul3A = arith.constant 2 : i32
    %mul3A_0 = arith.muli %arg1, %mul3A : i32
    %add3A = arith.addi %mul3A_0, %arg0 : i32
    %eq3A = arith.constant 0 : i32
    %eq3A_1 = arith.cmpi eq, %arg1, %eq3A : i32
    %convert_element_type3A = arith.extui %eq3A_1 : i1 to i32
    %cond3A = arith.constant 0 : i32
    %cond3A_2 = arith.cmpi ne, %convert_element_type3A, %cond3A : i32
    scf.if %cond3A_2 {
      "tpu.region"() ({
        %run_scoped3A = tpu.sem_alloc : memref<!tpu.dma_semaphore, #tpu.memory_space<semaphore_mem>>
        tpu.enqueue_dma source(%arg4 : memref<256x128xf32, #tpu.memory_space<hbm>>) target(%arg10 : memref<256x128xf32, #tpu.memory_space<vmem_shared>>) target_semaphore(%run_scoped3A : memref<!tpu.dma_semaphore, #tpu.memory_space<semaphore_mem>>)
        tpu.wait_dma2 semaphore(%run_scoped3A : memref<!tpu.dma_semaphore, #tpu.memory_space<semaphore_mem>>) src(%arg4 : memref<256x128xf32, #tpu.memory_space<hbm>>) dst(%arg10 : memref<256x128xf32, #tpu.memory_space<vmem_shared>>)
        tpu.yield
      }) : () -> ()
    } else {
    }
    %barrier3A = arith.constant 0 : index
    tpu.barrier barrier_id(%barrier3A)
    %scan3A = arith.constant 0 : i32
    %scan3A_3 = arith.constant 0 : i32
    %scan3A_4 = arith.constant 25 : i32
    %scan3A_5 = arith.addi %scan3A_3, %scan3A_4 : i32
    %scan3A_6 = arith.constant 1 : i32
    scf.for %scan3A_19 = %scan3A_3 to %scan3A_5 step %scan3A_6  : i32 {
      %mul3A_20 = arith.constant 32 : i32
      %mul3A_21 = arith.muli %mul3A_20, %scan3A_19 : i32
      %add3A_22 = arith.addi %add3A, %mul3A_21 : i32
      %lt3A = arith.constant 781 : i32
      %lt3A_23 = arith.cmpi slt, %add3A_22, %lt3A : i32
      %convert_element_type3A_24 = arith.extui %lt3A_23 : i1 to i32
      %cond3A_25 = arith.constant 0 : i32
      %cond3A_26 = arith.cmpi ne, %convert_element_type3A_24, %cond3A_25 : i32
      scf.if %cond3A_26 {
        %mul3A_27 = arith.constant 128 : i32
        %mul3A_28 = arith.muli %add3A_22, %mul3A_27 : i32
        %multiple_of3A = tpu.assume_multiple %mul3A_28, 8 : i32
        "tpu.region"() ({
          %run_scoped3A = tpu.sem_alloc : memref<!tpu.dma_semaphore, #tpu.memory_space<semaphore_mem>>
          %dma_start3A = arith.constant 0 : i32
          %dma_start3A_29 = tpu.memref_slice %arg2[%multiple_of3A, %dma_start3A] : memref<100000x128xf32, #tpu.memory_space<hbm>> -> memref<128x128xf32, #tpu.memory_space<hbm>>
          %dma_start3A_30 = arith.constant 0 : i32
          %dma_start3A_31 = tpu.memref_slice %arg2[%multiple_of3A, %dma_start3A_30] : memref<100000x128xf32, #tpu.memory_space<hbm>> -> memref<128x128xf32, #tpu.memory_space<hbm>>
          tpu.enqueue_dma source(%dma_start3A_31 : memref<128x128xf32, #tpu.memory_space<hbm>>) target(%arg6 : memref<128x128xf32, #tpu.memory_space<vmem>>) target_semaphore(%run_scoped3A : memref<!tpu.dma_semaphore, #tpu.memory_space<semaphore_mem>>)
          %dma_wait3A = arith.constant 0 : i32
          %dma_wait3A_32 = tpu.memref_slice %arg2[%multiple_of3A, %dma_wait3A] : memref<100000x128xf32, #tpu.memory_space<hbm>> -> memref<128x128xf32, #tpu.memory_space<hbm>>
          %dma_wait3A_33 = arith.constant 0 : i32
          %dma_wait3A_34 = tpu.memref_slice %arg2[%multiple_of3A, %dma_wait3A_33] : memref<100000x128xf32, #tpu.memory_space<hbm>> -> memref<128x128xf32, #tpu.memory_space<hbm>>
          tpu.wait_dma2 semaphore(%run_scoped3A : memref<!tpu.dma_semaphore, #tpu.memory_space<semaphore_mem>>) src(%dma_wait3A_34 : memref<128x128xf32, #tpu.memory_space<hbm>>) dst(%arg6 : memref<128x128xf32, #tpu.memory_space<vmem>>)
          tpu.yield
        }) : () -> ()
        "tpu.region"() ({
          %run_scoped3A = tpu.sem_alloc : memref<!tpu.dma_semaphore, #tpu.memory_space<semaphore_mem>>
          %dma_start3A = tpu.memref_slice %arg3[%multiple_of3A] : memref<100000xi32, #tpu.memory_space<hbm>> -> memref<128xi32, #tpu.memory_space<hbm>>
          %dma_start3A_29 = tpu.memref_slice %arg3[%multiple_of3A] : memref<100000xi32, #tpu.memory_space<hbm>> -> memref<128xi32, #tpu.memory_space<hbm>>
          tpu.enqueue_dma source(%dma_start3A_29 : memref<128xi32, #tpu.memory_space<hbm>>) target(%arg7 : memref<128xi32, #tpu.memory_space<vmem>>) target_semaphore(%run_scoped3A : memref<!tpu.dma_semaphore, #tpu.memory_space<semaphore_mem>>)
          %dma_wait3A = tpu.memref_slice %arg3[%multiple_of3A] : memref<100000xi32, #tpu.memory_space<hbm>> -> memref<128xi32, #tpu.memory_space<hbm>>
          %dma_wait3A_30 = tpu.memref_slice %arg3[%multiple_of3A] : memref<100000xi32, #tpu.memory_space<hbm>> -> memref<128xi32, #tpu.memory_space<hbm>>
          tpu.wait_dma2 semaphore(%run_scoped3A : memref<!tpu.dma_semaphore, #tpu.memory_space<semaphore_mem>>) src(%dma_wait3A_30 : memref<128xi32, #tpu.memory_space<hbm>>) dst(%arg7 : memref<128xi32, #tpu.memory_space<vmem>>)
          tpu.yield
        }) : () -> ()
        "tpu.region"() ({
          %run_scoped3A = tpu.sem_alloc : memref<!tpu.dma_semaphore, #tpu.memory_space<semaphore_mem>>
          %dma_start3A = arith.constant 0 : i32
          %dma_start3A_29 = arith.constant 0 : i32
          %dma_start3A_30 = tpu.memref_slice %arg10[%dma_start3A, %dma_start3A_29] : memref<256x128xf32, #tpu.memory_space<vmem_shared>> -> memref<256x128xf32, #tpu.memory_space<vmem_shared>>
          tpu.enqueue_indirect_dma source(%arg6 : memref<128x128xf32, #tpu.memory_space<vmem>>) target(%dma_start3A_30 : memref<256x128xf32, #tpu.memory_space<vmem_shared>>) offsets(%arg7 : memref<128xi32, #tpu.memory_space<vmem>>) semaphore(%run_scoped3A : memref<!tpu.dma_semaphore, #tpu.memory_space<semaphore_mem>>) {add = true}
          %dma_wait3A = arith.constant 0 : i32
          %dma_wait3A_31 = arith.constant 0 : i32
          %dma_wait3A_32 = tpu.memref_slice %arg10[%dma_wait3A, %dma_wait3A_31] : memref<256x128xf32, #tpu.memory_space<vmem_shared>> -> memref<256x128xf32, #tpu.memory_space<vmem_shared>>
          tpu.wait_indirect_dma semaphore(%run_scoped3A : memref<!tpu.dma_semaphore, #tpu.memory_space<semaphore_mem>>) src(%arg6 : memref<128x128xf32, #tpu.memory_space<vmem>>) dst(%dma_wait3A_32 : memref<256x128xf32, #tpu.memory_space<vmem_shared>>)
          tpu.yield
        }) : () -> ()
      } else {
      }
    }
    %scan3A_7 = arith.constant 25 : i32
    %eq3A_8 = arith.constant 31 : i32
    %eq3A_9 = arith.cmpi eq, %add3A, %eq3A_8 : i32
    %convert_element_type3A_10 = arith.extui %eq3A_9 : i1 to i32
    %cond3A_11 = arith.constant 0 : i32
    %cond3A_12 = arith.cmpi ne, %convert_element_type3A_10, %cond3A_11 : i32
    scf.if %cond3A_12 {
      "tpu.region"() ({
        %run_scoped3A = tpu.sem_alloc : memref<!tpu.dma_semaphore, #tpu.memory_space<semaphore_mem>>
        %dma_start3A = arith.constant 99968 : i32
        %dma_start3A_19 = arith.constant 0 : i32
        %dma_start3A_20 = tpu.memref_slice %arg2[%dma_start3A, %dma_start3A_19] : memref<100000x128xf32, #tpu.memory_space<hbm>> -> memref<32x128xf32, #tpu.memory_space<hbm>>
        %dma_start3A_21 = arith.constant 99968 : i32
        %dma_start3A_22 = arith.constant 0 : i32
        %dma_start3A_23 = tpu.memref_slice %arg2[%dma_start3A_21, %dma_start3A_22] : memref<100000x128xf32, #tpu.memory_space<hbm>> -> memref<32x128xf32, #tpu.memory_space<hbm>>
        tpu.enqueue_dma source(%dma_start3A_23 : memref<32x128xf32, #tpu.memory_space<hbm>>) target(%arg8 : memref<32x128xf32, #tpu.memory_space<vmem>>) target_semaphore(%run_scoped3A : memref<!tpu.dma_semaphore, #tpu.memory_space<semaphore_mem>>)
        %dma_wait3A = arith.constant 99968 : i32
        %dma_wait3A_24 = arith.constant 0 : i32
        %dma_wait3A_25 = tpu.memref_slice %arg2[%dma_wait3A, %dma_wait3A_24] : memref<100000x128xf32, #tpu.memory_space<hbm>> -> memref<32x128xf32, #tpu.memory_space<hbm>>
        %dma_wait3A_26 = arith.constant 99968 : i32
        %dma_wait3A_27 = arith.constant 0 : i32
        %dma_wait3A_28 = tpu.memref_slice %arg2[%dma_wait3A_26, %dma_wait3A_27] : memref<100000x128xf32, #tpu.memory_space<hbm>> -> memref<32x128xf32, #tpu.memory_space<hbm>>
        tpu.wait_dma2 semaphore(%run_scoped3A : memref<!tpu.dma_semaphore, #tpu.memory_space<semaphore_mem>>) src(%dma_wait3A_28 : memref<32x128xf32, #tpu.memory_space<hbm>>) dst(%arg8 : memref<32x128xf32, #tpu.memory_space<vmem>>)
        tpu.yield
      }) : () -> ()
      "tpu.region"() ({
        %run_scoped3A = tpu.sem_alloc : memref<!tpu.dma_semaphore, #tpu.memory_space<semaphore_mem>>
        %dma_start3A = arith.constant 99968 : i32
        %dma_start3A_19 = tpu.memref_slice %arg3[%dma_start3A] : memref<100000xi32, #tpu.memory_space<hbm>> -> memref<32xi32, #tpu.memory_space<hbm>>
        %dma_start3A_20 = arith.constant 99968 : i32
        %dma_start3A_21 = tpu.memref_slice %arg3[%dma_start3A_20] : memref<100000xi32, #tpu.memory_space<hbm>> -> memref<32xi32, #tpu.memory_space<hbm>>
        tpu.enqueue_dma source(%dma_start3A_21 : memref<32xi32, #tpu.memory_space<hbm>>) target(%arg9 : memref<32xi32, #tpu.memory_space<vmem>>) target_semaphore(%run_scoped3A : memref<!tpu.dma_semaphore, #tpu.memory_space<semaphore_mem>>)
        %dma_wait3A = arith.constant 99968 : i32
        %dma_wait3A_22 = tpu.memref_slice %arg3[%dma_wait3A] : memref<100000xi32, #tpu.memory_space<hbm>> -> memref<32xi32, #tpu.memory_space<hbm>>
        %dma_wait3A_23 = arith.constant 99968 : i32
        %dma_wait3A_24 = tpu.memref_slice %arg3[%dma_wait3A_23] : memref<100000xi32, #tpu.memory_space<hbm>> -> memref<32xi32, #tpu.memory_space<hbm>>
        tpu.wait_dma2 semaphore(%run_scoped3A : memref<!tpu.dma_semaphore, #tpu.memory_space<semaphore_mem>>) src(%dma_wait3A_24 : memref<32xi32, #tpu.memory_space<hbm>>) dst(%arg9 : memref<32xi32, #tpu.memory_space<vmem>>)
        tpu.yield
      }) : () -> ()
      "tpu.region"() ({
        %run_scoped3A = tpu.sem_alloc : memref<!tpu.dma_semaphore, #tpu.memory_space<semaphore_mem>>
        %dma_start3A = arith.constant 0 : i32
        %dma_start3A_19 = arith.constant 0 : i32
        %dma_start3A_20 = tpu.memref_slice %arg10[%dma_start3A, %dma_start3A_19] : memref<256x128xf32, #tpu.memory_space<vmem_shared>> -> memref<256x128xf32, #tpu.memory_space<vmem_shared>>
        tpu.enqueue_indirect_dma source(%arg8 : memref<32x128xf32, #tpu.memory_space<vmem>>) target(%dma_start3A_20 : memref<256x128xf32, #tpu.memory_space<vmem_shared>>) offsets(%arg9 : memref<32xi32, #tpu.memory_space<vmem>>) semaphore(%run_scoped3A : memref<!tpu.dma_semaphore, #tpu.memory_space<semaphore_mem>>) {add = true}
        %dma_wait3A = arith.constant 0 : i32
        %dma_wait3A_21 = arith.constant 0 : i32
        %dma_wait3A_22 = tpu.memref_slice %arg10[%dma_wait3A, %dma_wait3A_21] : memref<256x128xf32, #tpu.memory_space<vmem_shared>> -> memref<256x128xf32, #tpu.memory_space<vmem_shared>>
        tpu.wait_indirect_dma semaphore(%run_scoped3A : memref<!tpu.dma_semaphore, #tpu.memory_space<semaphore_mem>>) src(%arg8 : memref<32x128xf32, #tpu.memory_space<vmem>>) dst(%dma_wait3A_22 : memref<256x128xf32, #tpu.memory_space<vmem_shared>>)
        tpu.yield
      }) : () -> ()
    } else {
    }
    %barrier3A_13 = arith.constant 0 : index
    tpu.barrier barrier_id(%barrier3A_13)
    %eq3A_14 = arith.constant 0 : i32
    %eq3A_15 = arith.cmpi eq, %arg1, %eq3A_14 : i32
    %convert_element_type3A_16 = arith.extui %eq3A_15 : i1 to i32
    %cond3A_17 = arith.constant 0 : i32
    %cond3A_18 = arith.cmpi ne, %convert_element_type3A_16, %cond3A_17 : i32
    scf.if %cond3A_18 {
      "tpu.region"() ({
        %run_scoped3A = tpu.sem_alloc : memref<!tpu.dma_semaphore, #tpu.memory_space<semaphore_mem>>
        %dma_start3A = arith.constant 0 : i32
        %dma_start3A_19 = arith.constant 0 : i32
        %dma_start3A_20 = tpu.memref_slice %arg5[%arg0, %dma_start3A, %dma_start3A_19] : memref<2x256x128xf32, #tpu.memory_space<hbm>> -> memref<1x256x128xf32, #tpu.memory_space<hbm>>
        %dma_start3A_21 = tpu.memref_squeeze %dma_start3A_20 : memref<1x256x128xf32, #tpu.memory_space<hbm>> -> memref<256x128xf32, #tpu.memory_space<hbm>>
        tpu.enqueue_dma source(%arg10 : memref<256x128xf32, #tpu.memory_space<vmem_shared>>) target(%dma_start3A_21 : memref<256x128xf32, #tpu.memory_space<hbm>>) target_semaphore(%run_scoped3A : memref<!tpu.dma_semaphore, #tpu.memory_space<semaphore_mem>>)
        %dma_wait3A = arith.constant 0 : i32
        %dma_wait3A_22 = arith.constant 0 : i32
        %dma_wait3A_23 = tpu.memref_slice %arg5[%arg0, %dma_wait3A, %dma_wait3A_22] : memref<2x256x128xf32, #tpu.memory_space<hbm>> -> memref<1x256x128xf32, #tpu.memory_space<hbm>>
        %dma_wait3A_24 = tpu.memref_squeeze %dma_wait3A_23 : memref<1x256x128xf32, #tpu.memory_space<hbm>> -> memref<256x128xf32, #tpu.memory_space<hbm>>
        tpu.wait_dma2 semaphore(%run_scoped3A : memref<!tpu.dma_semaphore, #tpu.memory_space<semaphore_mem>>) src(%arg10 : memref<256x128xf32, #tpu.memory_space<vmem_shared>>) dst(%dma_wait3A_24 : memref<256x128xf32, #tpu.memory_space<hbm>>)
        tpu.yield
      }) : () -> ()
    } else {
    }
    return
  }
}

module attributes {stable_mosaic.version = 14 : i64} {
  func.func @_mlp_body(%arg0: i32, %arg1: memref<10000x128xf32, #tpu.memory_space<vmem>>, %arg2: memref<128x256xbf16, #tpu.memory_space<vmem>>, %arg3: memref<1x256xbf16, #tpu.memory_space<vmem>>, %arg4: memref<256x256xbf16, #tpu.memory_space<vmem>>, %arg5: memref<1x256xbf16, #tpu.memory_space<vmem>>, %arg6: memref<10000x128xf32, #tpu.memory_space<vmem>>) attributes {dimension_semantics = [#tpu.dimension_semantics<arbitrary>], iteration_bounds = array<i64: 10>, scalar_prefetch = 0 : i64, scratch_operands = 0 : i64, tpu.core_type = #tpu.core_type<tc>, window_params = [{transform_indices = @transform_0, window_bounds = array<i64: 10000, 128>}, {pipeline_mode = #tpu.pipeline_mode<synchronous>, transform_indices = @transform_1, window_bounds = array<i64: 128, 256>}, {pipeline_mode = #tpu.pipeline_mode<synchronous>, transform_indices = @transform_2, window_bounds = array<i64: 1, 256>}, {pipeline_mode = #tpu.pipeline_mode<synchronous>, transform_indices = @transform_3, window_bounds = array<i64: 256, 256>}, {pipeline_mode = #tpu.pipeline_mode<synchronous>, transform_indices = @transform_4, window_bounds = array<i64: 1, 256>}, {transform_indices = @transform_5, window_bounds = array<i64: 10000, 128>}]} {
    %get3A = arith.constant 0 : index
    %get3A_0 = arith.constant 0 : index
    %get3A_1 = vector.load %arg1[%get3A, %get3A_0] : memref<10000x128xf32, #tpu.memory_space<vmem>>, vector<10000x128xf32>
    %convert_element_type3A = arith.truncf %get3A_1 : vector<10000x128xf32> to vector<10000x128xbf16>
    %get3A_2 = arith.constant 0 : index
    %get3A_3 = arith.constant 0 : index
    %get3A_4 = vector.load %arg2[%get3A_2, %get3A_3] : memref<128x256xbf16, #tpu.memory_space<vmem>>, vector<128x256xbf16>
    %dot_general3A = arith.constant dense<0.000000e+00> : vector<10000x256xf32>
    %dot_general3A_5 = tpu.matmul %convert_element_type3A, %get3A_4, %dot_general3A {dimension_numbers = #tpu.dot_dimension_numbers<[1], [0], [0], [1], [0, 0, 1, 1], [], []>, transpose_lhs_hint = false} : vector<10000x128xbf16>, vector<128x256xbf16>, vector<10000x256xf32> -> vector<10000x256xf32>
    %convert_element_type3A_6 = arith.truncf %dot_general3A_5 : vector<10000x256xf32> to vector<10000x256xbf16>
    %get3A_7 = arith.constant 0 : index
    %get3A_8 = arith.constant 0 : index
    %get3A_9 = vector.load %arg3[%get3A_7, %get3A_8] : memref<1x256xbf16, #tpu.memory_space<vmem>>, vector<1x256xbf16>
    %add3A = vector.broadcast %get3A_9 : vector<1x256xbf16> to vector<10000x256xbf16>
    %add3A_10 = arith.addf %convert_element_type3A_6, %add3A : vector<10000x256xbf16>
    %max3A = arith.constant 0.000000e+00 : bf16
    %max3A_11 = vector.broadcast %max3A : bf16 to vector<10000x256xbf16>
    %max3A_12 = arith.maximumf %add3A_10, %max3A_11 : vector<10000x256xbf16>
    %get3A_13 = arith.constant 0 : index
    %get3A_14 = arith.constant 0 : index
    %get3A_15 = vector.load %arg4[%get3A_13, %get3A_14] : memref<256x256xbf16, #tpu.memory_space<vmem>>, vector<256x256xbf16>
    %dot_general3A_16 = arith.constant dense<0.000000e+00> : vector<10000x256xf32>
    %dot_general3A_17 = tpu.matmul %max3A_12, %get3A_15, %dot_general3A_16 {dimension_numbers = #tpu.dot_dimension_numbers<[1], [0], [0], [1], [0, 0, 1, 1], [], []>, transpose_lhs_hint = false} : vector<10000x256xbf16>, vector<256x256xbf16>, vector<10000x256xf32> -> vector<10000x256xf32>
    %convert_element_type3A_18 = arith.truncf %dot_general3A_17 : vector<10000x256xf32> to vector<10000x256xbf16>
    %get3A_19 = arith.constant 0 : index
    %get3A_20 = arith.constant 0 : index
    %get3A_21 = vector.load %arg5[%get3A_19, %get3A_20] : memref<1x256xbf16, #tpu.memory_space<vmem>>, vector<1x256xbf16>
    %add3A_22 = vector.broadcast %get3A_21 : vector<1x256xbf16> to vector<10000x256xbf16>
    %add3A_23 = arith.addf %convert_element_type3A_18, %add3A_22 : vector<10000x256xbf16>
    %slice3A = vector.extract_strided_slice %add3A_23 {offsets = [0, 0], sizes = [10000, 128], strides = [1, 1]} : vector<10000x256xbf16> to vector<10000x128xbf16>
    %slice3A_24 = vector.extract_strided_slice %add3A_23 {offsets = [0, 128], sizes = [10000, 128], strides = [1, 1]} : vector<10000x256xbf16> to vector<10000x128xbf16>
    %mul3A = arith.constant 5.000000e-01 : bf16
    %mul3A_25 = vector.broadcast %mul3A : bf16 to vector<10000x128xbf16>
    %mul3A_26 = arith.mulf %slice3A_24, %mul3A_25 : vector<10000x128xbf16>
    %tanh3A = math.tanh %mul3A_26 : vector<10000x128xbf16>
    %mul3A_27 = arith.constant 5.000000e-01 : bf16
    %mul3A_28 = vector.broadcast %mul3A_27 : bf16 to vector<10000x128xbf16>
    %mul3A_29 = arith.mulf %mul3A_28, %tanh3A : vector<10000x128xbf16>
    %add3A_30 = arith.constant 5.000000e-01 : bf16
    %add3A_31 = vector.broadcast %add3A_30 : bf16 to vector<10000x128xbf16>
    %add3A_32 = arith.addf %mul3A_29, %add3A_31 : vector<10000x128xbf16>
    %mul3A_33 = arith.mulf %add3A_32, %slice3A : vector<10000x128xbf16>
    %convert_element_type3A_34 = arith.extf %mul3A_33 : vector<10000x128xbf16> to vector<10000x128xf32>
    %swap3A = arith.constant 0 : index
    %swap3A_35 = arith.constant 0 : index
    %swap3A_36 = vector.load %arg6[%swap3A, %swap3A_35] : memref<10000x128xf32, #tpu.memory_space<vmem>>, vector<10000x128xf32>
    tpu.vector_store %arg6[%swap3A, %swap3A_35], %convert_element_type3A_34 {strides = array<i32>} : memref<10000x128xf32, #tpu.memory_space<vmem>>, vector<10000x128xf32>,
    return
  }
  func.func @transform_0(%arg0: i32) -> (i32, i32) {
    %c0_i32 = arith.constant 0 : i32
    %c0_i32_0 = arith.constant 0 : i32
    return %arg0, %c0_i32 : i32, i32
  }
  func.func @transform_1(%arg0: i32) -> (i32, i32) {
    %c0_i32 = arith.constant 0 : i32
    %c0_i32_0 = arith.constant 0 : i32
    %c0_i32_1 = arith.constant 0 : i32
    return %c0_i32, %c0_i32_0 : i32, i32
  }
  func.func @transform_2(%arg0: i32) -> (i32, i32) {
    %c0_i32 = arith.constant 0 : i32
    %c0_i32_0 = arith.constant 0 : i32
    %c0_i32_1 = arith.constant 0 : i32
    return %c0_i32, %c0_i32_0 : i32, i32
  }
  func.func @transform_3(%arg0: i32) -> (i32, i32) {
    %c0_i32 = arith.constant 0 : i32
    %c0_i32_0 = arith.constant 0 : i32
    %c0_i32_1 = arith.constant 0 : i32
    return %c0_i32, %c0_i32_0 : i32, i32
  }
  func.func @transform_4(%arg0: i32) -> (i32, i32) {
    %c0_i32 = arith.constant 0 : i32
    %c0_i32_0 = arith.constant 0 : i32
    %c0_i32_1 = arith.constant 0 : i32
    return %c0_i32, %c0_i32_0 : i32, i32
  }
  func.func @transform_5(%arg0: i32) -> (i32, i32) {
    %c0_i32 = arith.constant 0 : i32
    %c0_i32_0 = arith.constant 0 : i32
    return %arg0, %c0_i32 : i32, i32
  }
}

module attributes {stable_mosaic.version = 14 : i64} {
  func.func @_final_body(%arg0: memref<2x256x128xf32, #tpu.memory_space<vmem>>, %arg1: memref<128x128xf32, #tpu.memory_space<vmem>>, %arg2: memref<1x128xf32, #tpu.memory_space<vmem>>, %arg3: memref<128x128xf32, #tpu.memory_space<vmem>>, %arg4: memref<1x128xf32, #tpu.memory_space<vmem>>, %arg5: memref<256x128xf32, #tpu.memory_space<vmem>>) attributes {dimension_semantics = [], scalar_prefetch = 0 : i64, scratch_operands = 0 : i64, tpu.core_type = #tpu.core_type<tc>} {
    %get3A = arith.constant 0 : index
    %get3A_0 = arith.constant 0 : index
    %get3A_1 = arith.constant 0 : index
    %get3A_2 = vector.load %arg0[%get3A, %get3A_0, %get3A_1] : memref<2x256x128xf32, #tpu.memory_space<vmem>>, vector<1x256x128xf32>
    %get3A_3 = vector.shape_cast %get3A_2 : vector<1x256x128xf32> to vector<256x128xf32>
    %get3A_4 = arith.constant 1 : index
    %get3A_5 = arith.constant 0 : index
    %get3A_6 = arith.constant 0 : index
    %get3A_7 = vector.load %arg0[%get3A_4, %get3A_5, %get3A_6] : memref<2x256x128xf32, #tpu.memory_space<vmem>>, vector<1x256x128xf32>
    %get3A_8 = vector.shape_cast %get3A_7 : vector<1x256x128xf32> to vector<256x128xf32>
    %add3A = arith.addf %get3A_3, %get3A_8 : vector<256x128xf32>
    %get3A_9 = arith.constant 0 : index
    %get3A_10 = arith.constant 0 : index
    %get3A_11 = vector.load %arg1[%get3A_9, %get3A_10] : memref<128x128xf32, #tpu.memory_space<vmem>>, vector<128x128xf32>
    %dot_general3A = arith.constant dense<0.000000e+00> : vector<256x128xf32>
    %dot_general3A_12 = tpu.matmul %add3A, %get3A_11, %dot_general3A {dimension_numbers = #tpu.dot_dimension_numbers<[1], [0], [0], [1], [0, 0, 1, 1], [], []>, transpose_lhs_hint = false} : vector<256x128xf32>, vector<128x128xf32>, vector<256x128xf32> -> vector<256x128xf32>
    %get3A_13 = arith.constant 0 : index
    %get3A_14 = arith.constant 0 : index
    %get3A_15 = vector.load %arg2[%get3A_13, %get3A_14] : memref<1x128xf32, #tpu.memory_space<vmem>>, vector<1x128xf32>
    %add3A_16 = vector.broadcast %get3A_15 : vector<1x128xf32> to vector<256x128xf32>
    %add3A_17 = arith.addf %dot_general3A_12, %add3A_16 : vector<256x128xf32>
    %max3A = arith.constant 0.000000e+00 : f32
    %max3A_18 = vector.broadcast %max3A : f32 to vector<256x128xf32>
    %max3A_19 = arith.maximumf %add3A_17, %max3A_18 : vector<256x128xf32>
    %get3A_20 = arith.constant 0 : index
    %get3A_21 = arith.constant 0 : index
    %get3A_22 = vector.load %arg3[%get3A_20, %get3A_21] : memref<128x128xf32, #tpu.memory_space<vmem>>, vector<128x128xf32>
    %dot_general3A_23 = arith.constant dense<0.000000e+00> : vector<256x128xf32>
    %dot_general3A_24 = tpu.matmul %max3A_19, %get3A_22, %dot_general3A_23 {dimension_numbers = #tpu.dot_dimension_numbers<[1], [0], [0], [1], [0, 0, 1, 1], [], []>, transpose_lhs_hint = false} : vector<256x128xf32>, vector<128x128xf32>, vector<256x128xf32> -> vector<256x128xf32>
    %get3A_25 = arith.constant 0 : index
    %get3A_26 = arith.constant 0 : index
    %get3A_27 = vector.load %arg4[%get3A_25, %get3A_26] : memref<1x128xf32, #tpu.memory_space<vmem>>, vector<1x128xf32>
    %add3A_28 = vector.broadcast %get3A_27 : vector<1x128xf32> to vector<256x128xf32>
    %add3A_29 = arith.addf %dot_general3A_24, %add3A_28 : vector<256x128xf32>
    %swap3A = arith.constant 0 : index
    %swap3A_30 = arith.constant 0 : index
    %swap3A_31 = vector.load %arg5[%swap3A, %swap3A_30] : memref<256x128xf32, #tpu.memory_space<vmem>>, vector<256x128xf32>
    tpu.vector_store %arg5[%swap3A, %swap3A_30], %add3A_29 {strides = array<i32>} : memref<256x128xf32, #tpu.memory_space<vmem>>, vector<256x128xf32>,
    return
  }
}

</mosaic_0001>

<sc_bundles>
// kernel: _run.5.cloned.1.call-start
scs
__scs_entry_jumppad:
0x0: {  	(pc) =	sbr.rel $0x88, $3  }
0x1: {  	(tag) =	ssettag $0x0;
	lr =	simm.s32 $0x1  }
0x2: {  	[smem:$0x3F93] =	sst lr;
	_ =	strace $0xD0000000  }
0x3: {  	_ = 	snop  }
0x4: {  	_ = 	snop  }
0x5: {  	_ = 	snop  }
0x6: {  	_ = 	snop  }
0x7: {  	_ = 	snop  }
__scs_overlays_trampoline_lowered:
0x8: {  	[smem:$0x3FA2] =	sst s0  }
0x9: {  	[smem:$0x3FA3] =	sst s1  }
0xa: {  	[smem:$0x3FA4] =	sst s2  }
0xb: {  	[smem:$0x3FA5] =	sst s3  }
0xc: {  	[smem:$0x3FA6] =	sst s4  }
0xd: {  	[smem:$0x3FA7] =	sst s5  }
0xe: {  	[smem:$0x3FA8] =	sst s6  }
0xf: {  	[smem:$0x3FA9] =	sst s7  }
0x10: {  	[smem:$0x3FAA] =	sst s8  }
0x11: {  	[smem:$0x3FAB] =	sst s9;
	s0 =	simm.s32 @!p0 $0x0  }
0x12: {  	s1 =	sld [smem:$0x3F91];
	s0 =	simm.s32 @p0 $0x1  }
0x13: {  	[smem:$0x3FAC] =	sst s0;
	s0 =	simm.s32 @!p1 $0x0  }
0x14: {  	s2 =	sld [smem:$0x3F90];
	s0 =	simm.s32 @p1 $0x1  }
0x15: {  	[smem:$0x3FAD] =	sst s0;
	s0 =	simm.s32 @!p2 $0x0  }
0x16: {  	s3 =	sld [smem:$0x3FDB];
	s0 =	simm.s32 @p2 $0x1  }
0x17: {  	s4 =	simm.s32 $0x1BF5;
	[smem:$0x3FAF] =	sst s0  }
0x18: {  	s0 =	sld [smem:$0x3F92];
	_ =	swait.ge [sflag:s4], $0x0  }
0x19: {  	s7 =	sld [smem:$0x3F93]  }
0x1a: {  	s8 =	sadd.s32 $0xFFFFE003, lr  }
0x1b: {  	s9 =	sadd.s32 $0xFFFFFEF7, lr;
	s5 =	simm.s32 $0xFFFFFFFF;
	p2 =	slt.u32 s8, $0xFFFFF086  }
0x1c: {  	p1 =	slt.u32 s9, $0xF7A;
	s5 =	simm.s32 @!p2 $0x0  }
0x1d: {  	s5 =	simm.s32 @p1 $0x1;
	p0 =	seq.s32 s7, s2  }
0x1e: {  	s7 =	smul.u32 @!p0 $0xF7A, s2;
	p2 =	seq.s32 @!p0 s5, $0x0  }
0x1f: {  	s9 =	smul.u32 $0xF7A, s1;
	s8 =	simm.s32 @!p0 $0x1BF5;
	p2 =	por !p2, p0  }
0x20: {  	[sflag:s8] =	ssyncset.s32 @!p0 $0xFFFFF086;
	s6 =	sadd.s32 @!p0 s3, s7;
	s7 =	simm.s32 @!p0 $0x108  }
0x21: {  	s3 =	sadd.s32 s3, s9;
	s6 =	sadd.s32 @!p0 $0x88, s6;
	s7 =	simm.s32 @p2 $0x1082  }
0x22: {  	[simem:s7], [sflag:s8] =	dma.local @!p0 [hbm:s6], $0xF7A  }
0x23: {  	s9 =	sor.u32 $0xD0000000, s2;
	s6 =	simm.s32 $0x108;
	_ =	swait.ge @!p0 [sflag:s8], $0x0  }
0x24: {  	s3 =	sadd.s32 $0x88, s3;
	s6 =	simm.s32 @!p1 $0x1082;
	[sflag:s4] =	ssyncset.s32 $0xFFFFF086  }
0x25: {  	[simem:s6], [sflag:s4] =	dma.local [hbm:s3], $0xF7A  }
0x26: {  	[smem:$0x3F93] =	sst s1;
	(tag) =	ssettag s2;
	_ =	strace s9  }
0x27: {  	s1 =	sld [smem:$0x3FA3]  }
0x28: {  	s2 =	sld [smem:$0x3FA4]  }
0x29: {  	s4 =	sld [smem:$0x3FA6]  }
0x2a: {  	p0 =	seq.s32 s5, $0x0;
	s5 =	sld [smem:$0x3FA7]  }
0x2b: {  	s6 =	sld [smem:$0x3FA8]  }
0x2c: {  	s7 =	sld [smem:$0x3FA9]  }
0x2d: {  	s3 =	simm.s32 $0x108;
	s8 =	sld [smem:$0x3FAA]  }
0x2e: {  	s3 =	simm.s32 @!p0 $0x1082;
	s9 =	sld [smem:$0x3FAB]  }
0x2f: {  	lr =	sadd.s32 s0, s3;
	s0 =	sld [smem:$0x3FA2]  }
0x30: {  	s3 =	sld [smem:$0x3FA5]  }
0x31: {  	[smem:$0x3FAE] =	sst s10  }
0x32: {  	s10 =	sld [smem:$0x3FAC];
	_ =	sdelay $0x3  }
0x33: {  	p0 =	seq.s32 s10, $0x1;
	s10 =	sld [smem:$0x3FAE];
	_ =	sdelay $0x3  }
0x34: {  	[smem:$0x3FAE] =	sst s10  }
0x35: {  	s10 =	sld [smem:$0x3FAD];
	_ =	sdelay $0x3  }
0x36: {  	p1 =	seq.s32 s10, $0x1;
	s10 =	sld [smem:$0x3FAE];
	_ =	sdelay $0x3  }
0x37: {  	[smem:$0x3FAE] =	sst s10  }
0x38: {  	s10 =	sld [smem:$0x3FAF]  }
0x39: {  	_ = 	snop;
	(pc) =	sbr.ind lr, $3  }
0x3a: {  	_ = 	snop  }
0x3b: {  	_ = 	snop  }
0x3c: {  	p2 =	seq.s32 s10, $0x1;
	s10 =	sld [smem:$0x3FAE]  }
0x3d: {  	_ =	shalt  }
0x3e: {  	_ =	shalt  }
0x3f: {  	_ =	shalt  }
0x40: {  	_ =	shalt  }
0x41: {  	_ =	shalt  }
0x42: {  	_ =	shalt  }
0x43: {  	_ =	shalt  }
0x44: {  	_ =	shalt  }
0x45: {  	_ =	shalt  }
0x46: {  	_ =	shalt  }
0x47: {  	_ =	shalt  }
0x48: {  	_ =	shalt  }
0x49: {  	_ =	shalt  }
0x4a: {  	_ =	shalt  }
0x4b: {  	_ =	shalt  }
0x4c: {  	_ =	shalt  }
0x4d: {  	_ =	shalt  }
0x4e: {  	_ =	shalt  }
0x4f: {  	_ =	shalt  }
0x50: {  	_ =	shalt  }
0x51: {  	_ =	shalt  }
0x52: {  	_ =	shalt  }
0x53: {  	_ =	shalt  }
0x54: {  	_ =	shalt  }
0x55: {  	_ =	shalt  }
0x56: {  	_ =	shalt  }
0x57: {  	_ =	shalt  }
0x58: {  	_ =	shalt  }
0x59: {  	_ =	shalt  }
0x5a: {  	_ =	shalt  }
0x5b: {  	_ =	shalt  }
0x5c: {  	_ =	shalt  }
0x5d: {  	_ =	shalt  }
0x5e: {  	_ =	shalt  }
0x5f: {  	_ =	shalt  }
0x60: {  	_ =	shalt  }
0x61: {  	_ =	shalt  }
0x62: {  	_ =	shalt  }
0x63: {  	_ =	shalt  }
0x64: {  	_ =	shalt  }
0x65: {  	_ =	shalt  }
0x66: {  	_ =	shalt  }
0x67: {  	_ =	shalt  }
0x68: {  	_ =	shalt  }
0x69: {  	_ =	shalt  }
0x6a: {  	_ =	shalt  }
0x6b: {  	_ =	shalt  }
0x6c: {  	_ =	shalt  }
0x6d: {  	_ =	shalt  }
0x6e: {  	_ =	shalt  }
0x6f: {  	_ =	shalt  }
0x70: {  	_ =	shalt  }
0x71: {  	_ =	shalt  }
0x72: {  	_ =	shalt  }
0x73: {  	_ =	shalt  }
0x74: {  	_ =	shalt  }
0x75: {  	_ =	shalt  }
0x76: {  	_ =	shalt  }
0x77: {  	_ =	shalt  }
0x78: {  	_ =	shalt  }
0x79: {  	_ =	shalt  }
0x7a: {  	_ =	shalt  }
0x7b: {  	_ =	shalt  }
0x7c: {  	_ =	shalt  }
0x7d: {  	_ =	shalt  }
0x7e: {  	_ =	shalt  }
0x7f: {  	_ =	shalt  }
0x80: {  	_ =	shalt  }
0x81: {  	_ =	shalt  }
0x82: {  	_ =	shalt  }
0x83: {  	_ =	shalt  }
0x84: {  	_ =	shalt  }
0x85: {  	_ =	shalt  }
0x86: {  	_ =	shalt  }
0x87: {  	_ =	shalt  }
.Lfunc_end0:
.L_simem_size_0:
called_computation_lowered:
.L_overlay_start_0:
0x88: {  	s2 =	sld [smem:$0x3FD9]  }
0x89: {  	s3 =	sld [smem:$0x3FFE];
	_ =	sdelay $0x1  }
0x8a: {  	s1 =	srdreg.scid  }
0x8b: {  	s0 =	sand.u32 $0x1, s1  }
0x8c: {  	s17 =	sshll.u32 s0, $0xA;
	s2 =	sadd.s32 s3, s2  }
0x8d: {  	s2 =	sadd.s32 s2, s17  }
0x8e: {  	[smem:$0x3FBA] =	sst s2  }
0x8f: {  	_ = 	snop  }
0x90: {  	s2 =	sld [smem:$0x3FC8]  }
0x91: {  	s18 =	sld [smem:$0x3FD0];
	(tm) =	ssettm $0x1  }
0x92: {  	s4 =	sld [smem:$0x3FFB];
	_ =	sdelay $0x3  }
0x93: {  	_ =	strace s4  }
0x94: {  	s4 =	sld [smem:$0x3FFC];
	_ =	sdelay $0x3  }
0x95: {  	_ =	strace s4  }
0x96: {  	s4 =	sld [smem:$0x3FFD];
	_ =	sdelay $0x3  }
0x97: {  	_ =	strace s4  }
0x98: {  	_ =	strace $0x8FFFFFFF  }
0x99: {  	s19 =	sld [smem:$0x3FDB];
	_ =	sdelay $0x1  }
0x9a: {  	s5 =	simm.s32 $_scs_section_size  }
0x9b: {  	s6 =	simm.s32 $_size__tile_overlayer_lowered;
	s7 =	simm.s32 $_tile_overlayer_lowered  }
0x9c: {  	s22 =	simm.s32 $0x1BFF;
	s21 =	sshll.u32 s7, $0x1;
	s4 =	sadd.s32 s5, s19  }
0x9d: {  	s8 =	simm.s32 $0x0;
	s20 =	sshll.u32 s6, $0x1;
	s6 =	sadd.s32 s21, s4  }
0x9e: {  	[timem:s8], [sflag:s22] =	dma.local [hbm:s6], s20  }
0x9f: {  	_ =	swait.ge [sflag:s22], s20  }
0xa0: {  	s5 =	ssub.s32 $0x0, s20;
	[sflag:s22] =	ssyncset.done $0x0  }
0xa1: {  	[sflag:s22] =	ssyncadd.s32 s5;
	_ =	sdelay $0x1  }
0xa2: {  	s23 =	simm.s32 $0x1B8B  }
0xa3: {  	_ =	swait.ge [sflag:s23], $0x1  }
0xa4: {  	[sflag:s23] =	ssyncset.done $0x0  }
0xa5: {  	s25 =	simm.s32 $0x1B8E;
	s24 =	sld [smem:$0x3FFE];
	[sflag:s23] =	ssyncadd.s32 $0xFFFFFFFF  }
0xa6: {  	s26 =	simm.s32 $execute0_lowered;
	[smem:$0x3FD2] =	sst s25  }
0xa7: {  	s6 =	sshll.u32 s26, $0x1;
	_ =	strace $0x80000046;
	[dreg:$0x1] =	wrdreg $0xFFFFFFFF  }
0xa8: {  	s28 =	simm.s32 $_size_execute0_lowered;
	s4 =	sadd.s32 s4, s6;
	[dreg:$0x0] =	wrdreg $0x0  }
0xa9: {  	s6 =	sshll.u32 s28, $0x1;
	[dreg:$0x2] =	wrdreg s4  }
0xaa: {  	[dreg:$0x3] =	wrdreg s6  }
0xab: {  	[dreg:$0x4] =	wrdreg $0xC0  }
0xac: {  	_ =	task [dreg:s8], $0x5FFFF  }
0xad: {  	[dreg:$0x1] =	wrdreg $0xFFFFFFFF  }
0xae: {  	[dreg:$0x0] =	wrdreg $0x60  }
0xaf: {  	[dreg:$0x2] =	wrdreg s24  }
0xb0: {  	[dreg:$0x3] =	wrdreg s2  }
0xb1: {  	[dreg:$0x4] =	wrdreg s18  }
0xb2: {  	[dreg:$0x5] =	wrdreg $0x51000  }
0xb3: {  	[dreg:$0x6] =	wrdreg $0x9  }
0xb4: {  	_ =	task.clear_ibuf [dreg:s8], $0x7FFFF;
	_ =	strace $0x90000046  }
0xb5: {  	s29 =	simm.s32 $0x9;
	_ =	strace $0x80000048  }
0xb6: {  	_ =	swait.ge [sflag:s29], $0x1  }
0xb7: {  	[sflag:s29] =	ssyncadd.s32 $0xFFFFFFFF  }
0xb8: {  	_ =	strace $0x90000048  }
0xb9: {  	_ =	sfence  }
0xba: {  	s30 =	sld [smem:$0x0];
	_ =	sdelay $0x2  }
0xbb: {  	s31 =	sshll.u32 s1, $0xD;
	s1 =	sshrl.u32 s1, $0x2  }
0xbc: {  	s3 =	sand.u32 $0x4000, s31;
	s1 =	sadd.s32 s1, s30  }
0xbd: {  	s0 =	sor.u32 s3, s0;
	s1 =	sshll.u32 s1, $0x11  }
0xbe: {  	s0 =	sor.u32 s1, s0  }
0xbf: {  	s0 =	sadd.s32 $0x8F2B, s0  }
0xc0: {  	[sflag:s0] =	ssyncadd.remote.s32 $0x1  }
0xc1: {  	_ =	sfence.sel $0xFFFF  }
0xc2: {  	[dreg:$0x0] =	wrdreg $0xFFFFFFFF;
	(pc) =	sbr.abs _section_cstart, $3  }
0xc3: {  	[dreg:$0x1] =	wrdreg $0xFFFFFFFF  }
0xc4: {  	_ =	task.clear_ibuf [dreg:s8], $0x2FFFF;
	_ =	strace $0x9FFFFFFF  }
0xc5: {  	(tm) =	ssettm $0x7FFFFFFF  }
tec
execute0_lowered:
.L_overlay_start_1:
0x0: {  	(tag) =	ssettag $0x1  }
0x1: {  	s5 =	rddreg [dreg:$0x0]  }
0x2: {  	s10 =	rddreg [dreg:$0x1]  }
0x3: {  	s1 =	rddreg [dreg:$0x2]  }
0x4: {  	s2 =	rddreg [dreg:$0x3]  }
0x5: {  	s0 =	rddreg [dreg:$0x4];
	s3 =	simm.s32 $0x0;
	s4 =	srdreg.scid  }
0x6: {  	s11 =	stileid.u32;
	[smem:$0x7FF] =	sst s3;
	s12 =	sand.u32 $0x1, s4  }
0x7: {  	s26 =	sshll.u32 s11, $0xC;
	s29 =	sshll.u32 s11, $0x1;
	s31 =	sshll.u32 s11, $0x5  }
0x8: {  	p0 =	sne.s32 s11, $0x0;
	_ =	strace $0x80000047;
	s6 =	ssub.s32 $0x2, s12  }
0x9: {  	s8 =	sadd.s32 s26, s5;
	s28 =	sshll.u32 s12, $0xC;
	s4 =	sor.u32 s12, s29  }
0xa: {  	s14 =	sshll.u32 s12, $0xB;
	s12 =	sshll.u32 s12, $0x4;
	s11 =	sshrl.u32 @!p0 s2, $0x3  }
0xb: {  	s7 =	sshrl.u32 s6, $0x1;
	s9 =	sadd.s32 s28, s5;
	s5 =	sadd.s32 $0x187A00, s5  }
0xc: {  	s30 =	sadd.s32 s14, s8;
	p1 =	sne.s32 s4, $0x1F;
	s13 =	ssub.s32 s6, s7  }
0xd: {  	s6 =	sadd.s32 $0x30D0, s10;
	s7 =	sadd.s32 $0x187C00, s9;
	s10 =	sadd.s32 s31, s10  }
0xe: {  	s9 =	sadd.s32 $0x1200, s30;
	s8 =	smax.u32 s13, $0x1;
	s10 =	sadd.s32 s12, s10  }
.LBB2_1:
0xf: {  	s12 =	simm.s32 @!p0 $0x1C01  }
0x10: {  	[spmem:s11], [sflag:s12] =	dma.local @!p0 [hbm:s1], $0x1000  }
0x11: {  	s12 =	simm.s32 @!p0 $0x1  }
0x12: {  	_ =	swait.ge @!p0 [sflag:s12], $0x1000  }
0x13: {  	s13 =	sadd.s32 $0x0, s4;
	[sflag:s12] =	ssyncset.done @!p0 $0x0  }
0x14: {  	p2 =	sgt.u32 s13, $0x30C;
	[sflag:s12] =	ssyncadd.s32 @!p0 $0xFFFFF000  }
0x15: {  	s14 =	simm.s32 @!p2 $0x2;
	s12 =	simm.s32 @!p2 $0x0;
	[bflag:$0x0] =	sbarrier.arrive $0xFFFF  }
0x16: {  	[tilespmem:s12], [sflag:$0x2] =	stream.linear.gather @!p2 [hbm4b:s9+s12], $0x4000, $0x38;
	[tilespmem:$0x5900] =	vst v63  }
0x17: {  	_ =	swait.ge @!p2 [sflag:s14], $0x4000  }
0x18: {  	[sflag:s14] =	ssyncset.done @!p2 $0x0;
	p2 =	por p2, p2  }
0x19: {  	[sflag:s14] =	ssyncadd.s32 @!p2 $0xFFFFC000;
	s16 =	simm.s32 @!p2 $0x4000  }
0x1a: {  	[tilespmem:s16], [sflag:$0x2] =	stream.linear.gather @!p2 [hbm4b:s10+s12], $0x80, $0x38;
	[tilespmem:$0x5900] =	vst v63  }
0x1b: {  	_ =	swait.ge @!p2 [sflag:s14], $0x80  }
0x1c: {  	s31 =	sadd.s32 $0x20, s4;
	[sflag:s14] =	ssyncset.done @!p2 $0x0  }
0x1d: {  	s15 =	simm.s32 @!p2 $0x1;
	[sflag:s14] =	ssyncadd.s32 @!p2 $0xFFFFFF80;
	s14 =	simm.s32 @!p2 $0x80  }
0x1e: {  	[spmem:s2] =	stream.indirect.scatter.add.f32 @!p2 [tilespmem:s12], [sflag:$0x1], $0x80, s16, s14, $0xb8;
	[tilespmem:$0x5900] =	vst v63  }
0x1f: {  	s13 =	simm.s32 $0x40;
	p3 =	sgt.u32 s31, $0x30C;
	_ =	swait.ge @!p2 [sflag:s15], $0x4000  }
0x20: {  	s12 =	sadd.s32 $0x200, s10;
	s14 =	sadd.s32 $0x10000, s9;
	[sflag:s15] =	ssyncset.done @!p2 $0x0  }
.LBB2_2:
0x21: {  	s16 =	simm.s32 @!p3 $0x0;
	s17 =	simm.s32 @!p3 $0x2;
	[sflag:s15] =	ssyncadd.s32 @!p2 $0xFFFFC000  }
0x22: {  	[tilespmem:s16], [sflag:$0x2] =	stream.linear.gather @!p3 [hbm4b:s14+s16], $0x4000, $0x38;
	[tilespmem:$0x5900] =	vst v63  }
0x23: {  	s18 =	smov.u32 s13;
	s13 =	sadd.s32 $0x20, s13;
	_ =	swait.ge @!p3 [sflag:s17], $0x4000  }
0x24: {  	p2 =	por p3, p3;
	p4 =	sne.s32 s13, $0x320;
	[sflag:s17] =	ssyncset.done @!p3 $0x0  }
0x25: {  	s19 =	simm.s32 @!p2 $0x4000;
	[sflag:s17] =	ssyncadd.s32 @!p2 $0xFFFFC000  }
0x26: {  	[tilespmem:s19], [sflag:$0x2] =	stream.linear.gather @!p2 [hbm4b:s12+s16], $0x80, $0x38;
	[tilespmem:$0x5900] =	vst v63  }
0x27: {  	_ =	swait.ge @!p2 [sflag:s17], $0x80  }
.Ltmp0:
0x28: {  	[sflag:s17] =	ssyncset.done @!p2 $0x0;
	(pc) =	sbr.rel @p4 .LBB2_2-.Ltmp0, $4  }
0x29: {  	s15 =	simm.s32 @!p2 $0x1;
	[sflag:s17] =	ssyncadd.s32 @!p2 $0xFFFFFF80;
	s17 =	simm.s32 @!p2 $0x80  }
0x2a: {  	[spmem:s2] =	stream.indirect.scatter.add.f32 @!p2 [tilespmem:s16], [sflag:$0x1], $0x80, s19, s17, $0xb8;
	[tilespmem:$0x5900] =	vst v63  }
0x2b: {  	s12 =	sadd.s32 $0x200, s12;
	s16 =	sadd.s32 s18, s4;
	_ =	swait.ge @!p2 [sflag:s15], $0x4000  }
0x2c: {  	s14 =	sadd.s32 $0x10000, s14;
	p3 =	sgt.u32 s16, $0x30C;
	[sflag:s15] =	ssyncset.done @!p2 $0x0  }
0x2d: {  	s13 =	simm.s32 @!p3 $0x0;
	s16 =	simm.s32 @!p3 $0x2;
	[sflag:s15] =	ssyncadd.s32 @!p2 $0xFFFFC000  }
0x2e: {  	[tilespmem:s13], [sflag:$0x2] =	stream.linear.gather @!p3 [hbm4b:s14+s13], $0x4000, $0x38;
	[tilespmem:$0x5900] =	vst v63  }
0x2f: {  	_ =	swait.ge @!p3 [sflag:s16], $0x4000  }
0x30: {  	p2 =	por p3, p3;
	[sflag:s16] =	ssyncset.done @!p3 $0x0  }
0x31: {  	s14 =	simm.s32 @!p2 $0x4000;
	[sflag:s16] =	ssyncadd.s32 @!p2 $0xFFFFC000  }
0x32: {  	[tilespmem:s14], [sflag:$0x2] =	stream.linear.gather @!p2 [hbm4b:s12+s13], $0x80, $0x38;
	[tilespmem:$0x5900] =	vst v63  }
0x33: {  	_ =	swait.ge @!p2 [sflag:s16], $0x80  }
0x34: {  	[sflag:s16] =	ssyncset.done @!p2 $0x0  }
0x35: {  	s15 =	simm.s32 @!p2 $0x1;
	s12 =	simm.s32 @!p2 $0x80;
	[sflag:s16] =	ssyncadd.s32 @!p2 $0xFFFFFF80  }
0x36: {  	[spmem:s2] =	stream.indirect.scatter.add.f32 @!p2 [tilespmem:s13], [sflag:$0x1], $0x80, s14, s12, $0xb8;
	[tilespmem:$0x5900] =	vst v63  }
0x37: {  	_ =	swait.ge @!p2 [sflag:s15], $0x4000  }
0x38: {  	s12 =	simm.s32 @!p1 $0x0;
	[sflag:s15] =	ssyncset.done @!p2 $0x0  }
0x39: {  	s13 =	simm.s32 @!p1 $0x4080;
	s14 =	simm.s32 @!p1 $0x1;
	[sflag:s15] =	ssyncadd.s32 @!p2 $0xFFFFC000  }
0x3a: {  	[tilespmem:s13], [sflag:$0x1] =	stream.linear.gather @!p1 [hbm4b:s5+s12], $0x1000, $0x38;
	[tilespmem:$0x5900] =	vst v63  }
0x3b: {  	_ =	swait.ge @!p1 [sflag:s14], $0x1000  }
0x3c: {  	[sflag:s14] =	ssyncset.done @!p1 $0x0  }
0x3d: {  	s15 =	simm.s32 @!p1 $0x5080;
	[sflag:s14] =	ssyncadd.s32 @!p1 $0xFFFFF000  }
0x3e: {  	[tilespmem:s15], [sflag:$0x1] =	stream.linear.gather @!p1 [hbm4b:s6+s12], $0x20, $0x38;
	[tilespmem:$0x5900] =	vst v63  }
0x3f: {  	_ =	swait.ge @!p1 [sflag:s14], $0x20  }
0x40: {  	[sflag:s14] =	ssyncset.done @!p1 $0x0  }
0x41: {  	s12 =	simm.s32 @!p1 $0x20;
	[sflag:s14] =	ssyncadd.s32 @!p1 $0xFFFFFFE0  }
0x42: {  	[spmem:s2] =	stream.indirect.scatter.add.f32 @!p1 [tilespmem:s13], [sflag:$0x1], $0x80, s15, s12, $0xb8;
	[tilespmem:$0x5900] =	vst v63  }
0x43: {  	_ =	swait.ge @!p1 [sflag:s14], $0x1000  }
0x44: {  	[sflag:s14] =	ssyncset.done @!p1 $0x0  }
0x45: {  	s3 =	sadd.s32 $0x1, s3;
	[sflag:s14] =	ssyncadd.s32 @!p1 $0xFFFFF000  }
0x46: {  	p2 =	sne.s32 s3, s8;
	s12 =	simm.s32 @!p0 $0x1C01;
	[bflag:$0x0] =	sbarrier.arrive $0xFFFF  }
0x47: {  	[hbm:s7], [sflag:s12] =	dma.local @!p0 [spmem:s11], $0x1000  }
.Ltmp1:
0x48: {  	_ = 	snop;
	(pc) =	sbr.rel @p2 .LBB2_1-.Ltmp1, $4  }
0x49: {  	s12 =	simm.s32 @!p0 $0x1  }
0x4a: {  	_ =	swait.ge @!p0 [sflag:s12], $0x1000  }
0x4b: {  	[sflag:s12] =	ssyncset.done @!p0 $0x0  }
0x4c: {  	[sflag:s12] =	ssyncadd.s32 @!p0 $0xFFFFF000  }
0x4d: {  	_ =	sfence.sel $0x180000  }
0x4e: {  	[bflag:$0x0] =	sbarrier.arrive $0xFFFF  }
0x4f: {  	_ =	strace $0x90000047  }
0x50: {  	s0 =	sadd.s32 @!p0 $0x100000, s0;
	[bflag:$0x2] =	sbarrier.arrive $0xFFFF  }
0x51: {  	[sflag:s0] =	ssyncadd.tile.s32 @!p0 $0x1;
	_ =	shalt  }
.Lfunc_end2:
_tile_overlayer_lowered:
.L_overlay_start_2:
0x52: {  	(tag) =	ssettag $0x2  }
0x53: {  	s0 =	rddreg [dreg:$0x0];
	s2 =	stileid.u32  }
0x54: {  	s1 =	rddreg [dreg:$0x1];
	p0 =	sne.s32 s2, $0x0  }
0x55: {  	s3 =	rddreg [dreg:$0x2];
	[bflag:$0x3] =	sbarrier.arrive $0xFFFF;
	s2 =	simm.s32 @!p0 $0x1C01  }
0x56: {  	[timem:s3], [sflag:s2] =	dma.local @!p0 [hbm:s0], s1  }
0x57: {  	s0 =	simm.s32 @!p0 $0x1  }
0x58: {  	_ =	swait.ge @!p0 [sflag:s0], s1  }
0x59: {  	s1 =	ssub.s32 @!p0 $0x0, s1;
	[sflag:s0] =	ssyncset.done @!p0 $0x0  }
0x5a: {  	[sflag:s0] =	ssyncadd.s32 @!p0 s1  }
0x5b: {  	[bflag:$0x3] =	sbarrier.arrive $0xFFFF  }
0x5c: {  	_ =	shalt  }

</sc_bundles>
